<compile_context>
chip_gen: v7x
topology: tpu7x:2x2x1
jax: 0.10.2.dev20260603
libtpu: 0.0.44.dev20260713+nightly
codegen_flags: <defaults>
</compile_context>

<pallas_src>
import functools

import jax
import jax.numpy as jnp
from jax import lax
from jax.experimental import pallas as pl
from jax.experimental.pallas import tpu as pltpu
from jax.experimental.pallas import tpu_sc as plsc

N = 8192
W3 = 0.25

_info = plsc.get_sparse_core_info()
NC, NS, L = _info.num_cores, _info.num_subcores, _info.num_lanes
NW = NC * NS
PER_W = N // NW
CHUNKS = N // L


def _permute(v, idx):
    return lax.gather(
        v,
        idx.reshape(L, 1),
        lax.GatherDimensionNumbers(
            offset_dims=(), collapsed_slice_dims=(0,), start_index_map=(0,)
        ),
        (1,),
        mode=lax.GatherScatterMode.PROMISE_IN_BOUNDS,
    )


def _splat(v, l):
    return _permute(v, jnp.full((L,), l, jnp.int32))


def _lane_min(v):
    lanes = lax.iota(jnp.int32, L)
    for s in (8, 4, 2, 1):
        v = jnp.minimum(v, _permute(v, lanes ^ s))
    return v


def _sc_kernel(adv_hbm, ori_hbm, out_hbm, adv_v, ori_v, stage_v):
    wid = lax.axis_index("s") * NC + lax.axis_index("c")
    wbase = wid * PER_W
    for k in range(4):
        pltpu.sync_copy(
            adv_hbm.at[k, pl.ds(wbase, PER_W)], adv_v.at[k]
        )
    pltpu.sync_copy(ori_hbm, ori_v)

    def group_body(g, mxs):
        av0 = adv_v[0, pl.ds(g * L, L)]
        av1 = adv_v[1, pl.ds(g * L, L)]
        av2 = adv_v[2, pl.ds(g * L, L)]
        av3 = adv_v[3, pl.ds(g * L, L)]

        def lane_body(l, mxs_in):
            a0 = _splat(av0, l)
            a1 = _splat(av1, l)
            a2 = _splat(av2, l)
            a3 = _splat(av3, l)

            def ori_body(c, m16):
                o0 = ori_v[0, pl.ds(c * L, L)]
                o1 = ori_v[1, pl.ds(c * L, L)]
                o2 = ori_v[2, pl.ds(c * L, L)]
                o3 = ori_v[3, pl.ds(c * L, L)]
                d0 = o0 - a0
                d1 = o1 - a1
                d2 = o2 - a2
                d3 = o3 - a3
                acc = d0 * d0 + d1 * d1 + d2 * d2 + W3 * (d3 * d3)
                return jnp.minimum(m16, acc)

            m16 = lax.fori_loop(
                0, CHUNKS, ori_body, jnp.full((L,), jnp.inf, jnp.float32)
            )
            return jnp.maximum(mxs_in, _lane_min(m16))

        return lax.fori_loop(0, L, lane_body, mxs)

    mx16 = lax.fori_loop(
        0, PER_W // L, group_body, jnp.full((L,), -jnp.inf, jnp.float32)
    )
    stage_v[...] = mx16
    pltpu.sync_copy(stage_v, out_hbm.at[wid])


def kernel(adv_pc, ori_pc):
    adv_t = adv_pc.T
    ori_t = ori_pc.T
    mesh = plsc.VectorSubcoreMesh(core_axis_name="c", subcore_axis_name="s")
    k = functools.partial(
        pl.kernel,
        mesh=mesh,
        out_type=jax.ShapeDtypeStruct((NW, L), jnp.float32),
        scratch_types=[
            pltpu.VMEM((4, PER_W), jnp.float32),
            pltpu.VMEM((4, N), jnp.float32),
            pltpu.VMEM((L,), jnp.float32),
        ],
    )(_sc_kernel)
    partials = k(adv_t, ori_t)
    return jnp.max(partials).reshape(1)

# --- scband reference (transcript-rebuilt; emitter-appended) ---
"""Pipeline reference for scband-hausdorff-loss-with-intensity-63127429316932 (READ-ONLY COPY).

The authoritative reference and input builder live on the scoring server;
editing this copy changes nothing except your own understanding.
"""

import jax, jax.numpy as jnp
import numpy as np

LOSS_WEIGHT = 1.0
INTENSITY_WEIGHT = 0.5


def setup_inputs(seed: int = 0) -> dict:
    key = jax.random.key(seed)
    k1, k2 = jax.random.split(key)
    adv_pc = jax.random.normal(k1, (8192, 4), dtype=jnp.float32)
    ori_pc = jax.random.normal(k2, (8192, 4), dtype=jnp.float32)
    return {"adv_pc": adv_pc, "ori_pc": ori_pc}


def reference(adv_pc, ori_pc):
    # scale intensity channel by intensity_weight (equivalent to pc[..., 3] *= w)
    scale = jnp.array([1.0, 1.0, 1.0, INTENSITY_WEIGHT], dtype=adv_pc.dtype)
    adv = adv_pc * scale
    ori = ori_pc * scale
    # add batch dim, matching adv_pc.unsqueeze(0)
    adv_b = adv[None]  # [1, N, 4]
    ori_b = ori[None]  # [1, N, 4]
    # knn_points(adv, ori, K=1) -> squared euclidean distance to nearest ori point
    # pairwise squared distances [1, N_adv, N_ori]
    d2 = jnp.sum((adv_b[:, :, None, :] - ori_b[:, None, :, :]) ** 2, axis=-1)
    # K=1 nearest-neighbor squared distance: min over ori points -> [1, N_adv]
    nn_d2 = jnp.min(d2, axis=2)
    # adv_KNN.dists.squeeze(-1).max(-1)[0] -> [1]
    hd_loss = jnp.max(nn_d2, axis=-1)
    return hd_loss * LOSS_WEIGHT

if __name__ == "__main__":
    import jax
    _d = setup_inputs()
    print(jax.jit(kernel)(*tuple(_d.values())))

</pallas_src>

<mosaic_0001>
#map = affine_map<(d0, d1) -> (0, 0)>
module attributes {stable_mosaic.version = 14 : i64} {
  func.func @_sc_kernel(%arg0: i32, %arg1: i32, %arg2: memref<4x8192xf32, #tpu.memory_space<hbm>>, %arg3: memref<4x8192xf32, #tpu.memory_space<hbm>>, %arg4: memref<32x16xf32, #tpu.memory_space<hbm>>, %arg5: memref<4x256xf32, #tpu.memory_space<vmem>>, %arg6: memref<4x8192xf32, #tpu.memory_space<vmem>>, %arg7: memref<16xf32, #tpu.memory_space<vmem>>) attributes {dimension_semantics = [#tpu.dimension_semantics<core_parallel>, #tpu.dimension_semantics<subcore_parallel>], iteration_bounds = array<i64: 2, 16>, scalar_prefetch = 0 : i64, scratch_operands = 3 : i64, tpu.core_type = #tpu.core_type<sc_vector_subcore>, window_params = [{transform_indices = #map}, {transform_indices = #map}, {transform_indices = #map}]} {
    %mul3A = arith.constant 2 : i32
    %mul3A_0 = arith.muli %arg1, %mul3A : i32
    %add3A = arith.addi %mul3A_0, %arg0 : i32
    %mul3A_1 = arith.constant 256 : i32
    %mul3A_2 = arith.muli %add3A, %mul3A_1 : i32
    %run_scoped3A = arith.constant 0 : i32
    %run_scoped3A_3 = arith.constant 0 : i32
    "tpu.region"() ({
      %run_scoped3A_19 = tpu.sem_alloc : memref<!tpu.dma_semaphore, #tpu.memory_space<semaphore_mem>>
      %dma_start3A = arith.constant 0 : i32
      %dma_start3A_20 = tpu.memref_slice %arg5[%run_scoped3A_3, %dma_start3A] : memref<4x256xf32, #tpu.memory_space<vmem>> -> memref<1x256xf32, #tpu.memory_space<vmem>>
      %dma_start3A_21 = tpu.memref_squeeze %dma_start3A_20 : memref<1x256xf32, #tpu.memory_space<vmem>> -> memref<256xf32, #tpu.memory_space<vmem>>
      %dma_start3A_22 = tpu.memref_slice %arg2[%run_scoped3A, %mul3A_2] : memref<4x8192xf32, #tpu.memory_space<hbm>> -> memref<1x256xf32, #tpu.memory_space<hbm>>
      %dma_start3A_23 = tpu.memref_squeeze %dma_start3A_22 : memref<1x256xf32, #tpu.memory_space<hbm>> -> memref<256xf32, #tpu.memory_space<hbm>>
      %dma_start3A_24 = arith.constant 0 : i32
      %dma_start3A_25 = tpu.memref_slice %arg5[%run_scoped3A_3, %dma_start3A_24] : memref<4x256xf32, #tpu.memory_space<vmem>> -> memref<1x256xf32, #tpu.memory_space<vmem>>
      %dma_start3A_26 = tpu.memref_squeeze %dma_start3A_25 : memref<1x256xf32, #tpu.memory_space<vmem>> -> memref<256xf32, #tpu.memory_space<vmem>>
      %dma_start3A_27 = tpu.memref_slice %arg2[%run_scoped3A, %mul3A_2] : memref<4x8192xf32, #tpu.memory_space<hbm>> -> memref<1x256xf32, #tpu.memory_space<hbm>>
      %dma_start3A_28 = tpu.memref_squeeze %dma_start3A_27 : memref<1x256xf32, #tpu.memory_space<hbm>> -> memref<256xf32, #tpu.memory_space<hbm>>
      tpu.enqueue_dma source(%dma_start3A_28 : memref<256xf32, #tpu.memory_space<hbm>>) target(%dma_start3A_26 : memref<256xf32, #tpu.memory_space<vmem>>) target_semaphore(%run_scoped3A_19 : memref<!tpu.dma_semaphore, #tpu.memory_space<semaphore_mem>>)
      %dma_wait3A = arith.constant 0 : i32
      %dma_wait3A_29 = tpu.memref_slice %arg5[%run_scoped3A_3, %dma_wait3A] : memref<4x256xf32, #tpu.memory_space<vmem>> -> memref<1x256xf32, #tpu.memory_space<vmem>>
      %dma_wait3A_30 = tpu.memref_squeeze %dma_wait3A_29 : memref<1x256xf32, #tpu.memory_space<vmem>> -> memref<256xf32, #tpu.memory_space<vmem>>
      %dma_wait3A_31 = tpu.memref_slice %arg2[%run_scoped3A, %mul3A_2] : memref<4x8192xf32, #tpu.memory_space<hbm>> -> memref<1x256xf32, #tpu.memory_space<hbm>>
      %dma_wait3A_32 = tpu.memref_squeeze %dma_wait3A_31 : memref<1x256xf32, #tpu.memory_space<hbm>> -> memref<256xf32, #tpu.memory_space<hbm>>
      %dma_wait3A_33 = arith.constant 0 : i32
      %dma_wait3A_34 = tpu.memref_slice %arg5[%run_scoped3A_3, %dma_wait3A_33] : memref<4x256xf32, #tpu.memory_space<vmem>> -> memref<1x256xf32, #tpu.memory_space<vmem>>
      %dma_wait3A_35 = tpu.memref_squeeze %dma_wait3A_34 : memref<1x256xf32, #tpu.memory_space<vmem>> -> memref<256xf32, #tpu.memory_space<vmem>>
      %dma_wait3A_36 = tpu.memref_slice %arg2[%run_scoped3A, %mul3A_2] : memref<4x8192xf32, #tpu.memory_space<hbm>> -> memref<1x256xf32, #tpu.memory_space<hbm>>
      %dma_wait3A_37 = tpu.memref_squeeze %dma_wait3A_36 : memref<1x256xf32, #tpu.memory_space<hbm>> -> memref<256xf32, #tpu.memory_space<hbm>>
      tpu.wait_dma2 semaphore(%run_scoped3A_19 : memref<!tpu.dma_semaphore, #tpu.memory_space<semaphore_mem>>) src(%dma_wait3A_37 : memref<256xf32, #tpu.memory_space<hbm>>) dst(%dma_wait3A_35 : memref<256xf32, #tpu.memory_space<vmem>>)
      tpu.yield
    }) : () -> ()
    %run_scoped3A_4 = arith.constant 1 : i32
    %run_scoped3A_5 = arith.constant 1 : i32
    "tpu.region"() ({
      %run_scoped3A_19 = tpu.sem_alloc : memref<!tpu.dma_semaphore, #tpu.memory_space<semaphore_mem>>
      %dma_start3A = arith.constant 0 : i32
      %dma_start3A_20 = tpu.memref_slice %arg5[%run_scoped3A_5, %dma_start3A] : memref<4x256xf32, #tpu.memory_space<vmem>> -> memref<1x256xf32, #tpu.memory_space<vmem>>
      %dma_start3A_21 = tpu.memref_squeeze %dma_start3A_20 : memref<1x256xf32, #tpu.memory_space<vmem>> -> memref<256xf32, #tpu.memory_space<vmem>>
      %dma_start3A_22 = tpu.memref_slice %arg2[%run_scoped3A_4, %mul3A_2] : memref<4x8192xf32, #tpu.memory_space<hbm>> -> memref<1x256xf32, #tpu.memory_space<hbm>>
      %dma_start3A_23 = tpu.memref_squeeze %dma_start3A_22 : memref<1x256xf32, #tpu.memory_space<hbm>> -> memref<256xf32, #tpu.memory_space<hbm>>
      %dma_start3A_24 = arith.constant 0 : i32
      %dma_start3A_25 = tpu.memref_slice %arg5[%run_scoped3A_5, %dma_start3A_24] : memref<4x256xf32, #tpu.memory_space<vmem>> -> memref<1x256xf32, #tpu.memory_space<vmem>>
      %dma_start3A_26 = tpu.memref_squeeze %dma_start3A_25 : memref<1x256xf32, #tpu.memory_space<vmem>> -> memref<256xf32, #tpu.memory_space<vmem>>
      %dma_start3A_27 = tpu.memref_slice %arg2[%run_scoped3A_4, %mul3A_2] : memref<4x8192xf32, #tpu.memory_space<hbm>> -> memref<1x256xf32, #tpu.memory_space<hbm>>
      %dma_start3A_28 = tpu.memref_squeeze %dma_start3A_27 : memref<1x256xf32, #tpu.memory_space<hbm>> -> memref<256xf32, #tpu.memory_space<hbm>>
      tpu.enqueue_dma source(%dma_start3A_28 : memref<256xf32, #tpu.memory_space<hbm>>) target(%dma_start3A_26 : memref<256xf32, #tpu.memory_space<vmem>>) target_semaphore(%run_scoped3A_19 : memref<!tpu.dma_semaphore, #tpu.memory_space<semaphore_mem>>)
      %dma_wait3A = arith.constant 0 : i32
      %dma_wait3A_29 = tpu.memref_slice %arg5[%run_scoped3A_5, %dma_wait3A] : memref<4x256xf32, #tpu.memory_space<vmem>> -> memref<1x256xf32, #tpu.memory_space<vmem>>
      %dma_wait3A_30 = tpu.memref_squeeze %dma_wait3A_29 : memref<1x256xf32, #tpu.memory_space<vmem>> -> memref<256xf32, #tpu.memory_space<vmem>>
      %dma_wait3A_31 = tpu.memref_slice %arg2[%run_scoped3A_4, %mul3A_2] : memref<4x8192xf32, #tpu.memory_space<hbm>> -> memref<1x256xf32, #tpu.memory_space<hbm>>
      %dma_wait3A_32 = tpu.memref_squeeze %dma_wait3A_31 : memref<1x256xf32, #tpu.memory_space<hbm>> -> memref<256xf32, #tpu.memory_space<hbm>>
      %dma_wait3A_33 = arith.constant 0 : i32
      %dma_wait3A_34 = tpu.memref_slice %arg5[%run_scoped3A_5, %dma_wait3A_33] : memref<4x256xf32, #tpu.memory_space<vmem>> -> memref<1x256xf32, #tpu.memory_space<vmem>>
      %dma_wait3A_35 = tpu.memref_squeeze %dma_wait3A_34 : memref<1x256xf32, #tpu.memory_space<vmem>> -> memref<256xf32, #tpu.memory_space<vmem>>
      %dma_wait3A_36 = tpu.memref_slice %arg2[%run_scoped3A_4, %mul3A_2] : memref<4x8192xf32, #tpu.memory_space<hbm>> -> memref<1x256xf32, #tpu.memory_space<hbm>>
      %dma_wait3A_37 = tpu.memref_squeeze %dma_wait3A_36 : memref<1x256xf32, #tpu.memory_space<hbm>> -> memref<256xf32, #tpu.memory_space<hbm>>
      tpu.wait_dma2 semaphore(%run_scoped3A_19 : memref<!tpu.dma_semaphore, #tpu.memory_space<semaphore_mem>>) src(%dma_wait3A_37 : memref<256xf32, #tpu.memory_space<hbm>>) dst(%dma_wait3A_35 : memref<256xf32, #tpu.memory_space<vmem>>)
      tpu.yield
    }) : () -> ()
    %run_scoped3A_6 = arith.constant 2 : i32
    %run_scoped3A_7 = arith.constant 2 : i32
    "tpu.region"() ({
      %run_scoped3A_19 = tpu.sem_alloc : memref<!tpu.dma_semaphore, #tpu.memory_space<semaphore_mem>>
      %dma_start3A = arith.constant 0 : i32
      %dma_start3A_20 = tpu.memref_slice %arg5[%run_scoped3A_7, %dma_start3A] : memref<4x256xf32, #tpu.memory_space<vmem>> -> memref<1x256xf32, #tpu.memory_space<vmem>>
      %dma_start3A_21 = tpu.memref_squeeze %dma_start3A_20 : memref<1x256xf32, #tpu.memory_space<vmem>> -> memref<256xf32, #tpu.memory_space<vmem>>
      %dma_start3A_22 = tpu.memref_slice %arg2[%run_scoped3A_6, %mul3A_2] : memref<4x8192xf32, #tpu.memory_space<hbm>> -> memref<1x256xf32, #tpu.memory_space<hbm>>
      %dma_start3A_23 = tpu.memref_squeeze %dma_start3A_22 : memref<1x256xf32, #tpu.memory_space<hbm>> -> memref<256xf32, #tpu.memory_space<hbm>>
      %dma_start3A_24 = arith.constant 0 : i32
      %dma_start3A_25 = tpu.memref_slice %arg5[%run_scoped3A_7, %dma_start3A_24] : memref<4x256xf32, #tpu.memory_space<vmem>> -> memref<1x256xf32, #tpu.memory_space<vmem>>
      %dma_start3A_26 = tpu.memref_squeeze %dma_start3A_25 : memref<1x256xf32, #tpu.memory_space<vmem>> -> memref<256xf32, #tpu.memory_space<vmem>>
      %dma_start3A_27 = tpu.memref_slice %arg2[%run_scoped3A_6, %mul3A_2] : memref<4x8192xf32, #tpu.memory_space<hbm>> -> memref<1x256xf32, #tpu.memory_space<hbm>>
      %dma_start3A_28 = tpu.memref_squeeze %dma_start3A_27 : memref<1x256xf32, #tpu.memory_space<hbm>> -> memref<256xf32, #tpu.memory_space<hbm>>
      tpu.enqueue_dma source(%dma_start3A_28 : memref<256xf32, #tpu.memory_space<hbm>>) target(%dma_start3A_26 : memref<256xf32, #tpu.memory_space<vmem>>) target_semaphore(%run_scoped3A_19 : memref<!tpu.dma_semaphore, #tpu.memory_space<semaphore_mem>>)
      %dma_wait3A = arith.constant 0 : i32
      %dma_wait3A_29 = tpu.memref_slice %arg5[%run_scoped3A_7, %dma_wait3A] : memref<4x256xf32, #tpu.memory_space<vmem>> -> memref<1x256xf32, #tpu.memory_space<vmem>>
      %dma_wait3A_30 = tpu.memref_squeeze %dma_wait3A_29 : memref<1x256xf32, #tpu.memory_space<vmem>> -> memref<256xf32, #tpu.memory_space<vmem>>
      %dma_wait3A_31 = tpu.memref_slice %arg2[%run_scoped3A_6, %mul3A_2] : memref<4x8192xf32, #tpu.memory_space<hbm>> -> memref<1x256xf32, #tpu.memory_space<hbm>>
      %dma_wait3A_32 = tpu.memref_squeeze %dma_wait3A_31 : memref<1x256xf32, #tpu.memory_space<hbm>> -> memref<256xf32, #tpu.memory_space<hbm>>
      %dma_wait3A_33 = arith.constant 0 : i32
      %dma_wait3A_34 = tpu.memref_slice %arg5[%run_scoped3A_7, %dma_wait3A_33] : memref<4x256xf32, #tpu.memory_space<vmem>> -> memref<1x256xf32, #tpu.memory_space<vmem>>
      %dma_wait3A_35 = tpu.memref_squeeze %dma_wait3A_34 : memref<1x256xf32, #tpu.memory_space<vmem>> -> memref<256xf32, #tpu.memory_space<vmem>>
      %dma_wait3A_36 = tpu.memref_slice %arg2[%run_scoped3A_6, %mul3A_2] : memref<4x8192xf32, #tpu.memory_space<hbm>> -> memref<1x256xf32, #tpu.memory_space<hbm>>
      %dma_wait3A_37 = tpu.memref_squeeze %dma_wait3A_36 : memref<1x256xf32, #tpu.memory_space<hbm>> -> memref<256xf32, #tpu.memory_space<hbm>>
      tpu.wait_dma2 semaphore(%run_scoped3A_19 : memref<!tpu.dma_semaphore, #tpu.memory_space<semaphore_mem>>) src(%dma_wait3A_37 : memref<256xf32, #tpu.memory_space<hbm>>) dst(%dma_wait3A_35 : memref<256xf32, #tpu.memory_space<vmem>>)
      tpu.yield
    }) : () -> ()
    %run_scoped3A_8 = arith.constant 3 : i32
    %run_scoped3A_9 = arith.constant 3 : i32
    "tpu.region"() ({
      %run_scoped3A_19 = tpu.sem_alloc : memref<!tpu.dma_semaphore, #tpu.memory_space<semaphore_mem>>
      %dma_start3A = arith.constant 0 : i32
      %dma_start3A_20 = tpu.memref_slice %arg5[%run_scoped3A_9, %dma_start3A] : memref<4x256xf32, #tpu.memory_space<vmem>> -> memref<1x256xf32, #tpu.memory_space<vmem>>
      %dma_start3A_21 = tpu.memref_squeeze %dma_start3A_20 : memref<1x256xf32, #tpu.memory_space<vmem>> -> memref<256xf32, #tpu.memory_space<vmem>>
      %dma_start3A_22 = tpu.memref_slice %arg2[%run_scoped3A_8, %mul3A_2] : memref<4x8192xf32, #tpu.memory_space<hbm>> -> memref<1x256xf32, #tpu.memory_space<hbm>>
      %dma_start3A_23 = tpu.memref_squeeze %dma_start3A_22 : memref<1x256xf32, #tpu.memory_space<hbm>> -> memref<256xf32, #tpu.memory_space<hbm>>
      %dma_start3A_24 = arith.constant 0 : i32
      %dma_start3A_25 = tpu.memref_slice %arg5[%run_scoped3A_9, %dma_start3A_24] : memref<4x256xf32, #tpu.memory_space<vmem>> -> memref<1x256xf32, #tpu.memory_space<vmem>>
      %dma_start3A_26 = tpu.memref_squeeze %dma_start3A_25 : memref<1x256xf32, #tpu.memory_space<vmem>> -> memref<256xf32, #tpu.memory_space<vmem>>
      %dma_start3A_27 = tpu.memref_slice %arg2[%run_scoped3A_8, %mul3A_2] : memref<4x8192xf32, #tpu.memory_space<hbm>> -> memref<1x256xf32, #tpu.memory_space<hbm>>
      %dma_start3A_28 = tpu.memref_squeeze %dma_start3A_27 : memref<1x256xf32, #tpu.memory_space<hbm>> -> memref<256xf32, #tpu.memory_space<hbm>>
      tpu.enqueue_dma source(%dma_start3A_28 : memref<256xf32, #tpu.memory_space<hbm>>) target(%dma_start3A_26 : memref<256xf32, #tpu.memory_space<vmem>>) target_semaphore(%run_scoped3A_19 : memref<!tpu.dma_semaphore, #tpu.memory_space<semaphore_mem>>)
      %dma_wait3A = arith.constant 0 : i32
      %dma_wait3A_29 = tpu.memref_slice %arg5[%run_scoped3A_9, %dma_wait3A] : memref<4x256xf32, #tpu.memory_space<vmem>> -> memref<1x256xf32, #tpu.memory_space<vmem>>
      %dma_wait3A_30 = tpu.memref_squeeze %dma_wait3A_29 : memref<1x256xf32, #tpu.memory_space<vmem>> -> memref<256xf32, #tpu.memory_space<vmem>>
      %dma_wait3A_31 = tpu.memref_slice %arg2[%run_scoped3A_8, %mul3A_2] : memref<4x8192xf32, #tpu.memory_space<hbm>> -> memref<1x256xf32, #tpu.memory_space<hbm>>
      %dma_wait3A_32 = tpu.memref_squeeze %dma_wait3A_31 : memref<1x256xf32, #tpu.memory_space<hbm>> -> memref<256xf32, #tpu.memory_space<hbm>>
      %dma_wait3A_33 = arith.constant 0 : i32
      %dma_wait3A_34 = tpu.memref_slice %arg5[%run_scoped3A_9, %dma_wait3A_33] : memref<4x256xf32, #tpu.memory_space<vmem>> -> memref<1x256xf32, #tpu.memory_space<vmem>>
      %dma_wait3A_35 = tpu.memref_squeeze %dma_wait3A_34 : memref<1x256xf32, #tpu.memory_space<vmem>> -> memref<256xf32, #tpu.memory_space<vmem>>
      %dma_wait3A_36 = tpu.memref_slice %arg2[%run_scoped3A_8, %mul3A_2] : memref<4x8192xf32, #tpu.memory_space<hbm>> -> memref<1x256xf32, #tpu.memory_space<hbm>>
      %dma_wait3A_37 = tpu.memref_squeeze %dma_wait3A_36 : memref<1x256xf32, #tpu.memory_space<hbm>> -> memref<256xf32, #tpu.memory_space<hbm>>
      tpu.wait_dma2 semaphore(%run_scoped3A_19 : memref<!tpu.dma_semaphore, #tpu.memory_space<semaphore_mem>>) src(%dma_wait3A_37 : memref<256xf32, #tpu.memory_space<hbm>>) dst(%dma_wait3A_35 : memref<256xf32, #tpu.memory_space<vmem>>)
      tpu.yield
    }) : () -> ()
    "tpu.region"() ({
      %run_scoped3A_19 = tpu.sem_alloc : memref<!tpu.dma_semaphore, #tpu.memory_space<semaphore_mem>>
      tpu.enqueue_dma source(%arg3 : memref<4x8192xf32, #tpu.memory_space<hbm>>) target(%arg6 : memref<4x8192xf32, #tpu.memory_space<vmem>>) target_semaphore(%run_scoped3A_19 : memref<!tpu.dma_semaphore, #tpu.memory_space<semaphore_mem>>)
      tpu.wait_dma2 semaphore(%run_scoped3A_19 : memref<!tpu.dma_semaphore, #tpu.memory_space<semaphore_mem>>) src(%arg3 : memref<4x8192xf32, #tpu.memory_space<hbm>>) dst(%arg6 : memref<4x8192xf32, #tpu.memory_space<vmem>>)
      tpu.yield
    }) : () -> ()
    %broadcast_in_dim3A = arith.constant 0xFF800000 : f32
    %broadcast_in_dim3A_10 = vector.broadcast %broadcast_in_dim3A : f32 to vector<16xf32>
    %scan3A = arith.constant 0 : i32
    %scan3A_11 = arith.constant 16 : i32
    %scan3A_12 = arith.addi %scan3A, %scan3A_11 : i32
    %scan3A_13 = arith.constant 1 : i32
    %scan3A_14 = scf.for %scan3A_19 = %scan3A to %scan3A_12 step %scan3A_13 iter_args(%scan3A_20 = %broadcast_in_dim3A_10) -> (vector<16xf32>)  : i32 {
      %mul3A_21 = arith.constant 16 : i32
      %mul3A_22 = arith.muli %scan3A_19, %mul3A_21 : i32
      %get3A = arith.constant 0 : i32
      %get3A_23 = arith.index_cast %get3A : i32 to index
      %get3A_24 = arith.index_cast %mul3A_22 : i32 to index
      %get3A_25 = tpu.vector_load %arg5[%get3A_23, %get3A_24] {strides = array<i32>} : memref<4x256xf32, #tpu.memory_space<vmem>>, vector<1x16xf32>,
      %get3A_26 = vector.shape_cast %get3A_25 : vector<1x16xf32> to vector<16xf32>
      %mul3A_27 = arith.constant 16 : i32
      %mul3A_28 = arith.muli %scan3A_19, %mul3A_27 : i32
      %get3A_29 = arith.constant 1 : i32
      %get3A_30 = arith.index_cast %get3A_29 : i32 to index
      %get3A_31 = arith.index_cast %mul3A_28 : i32 to index
      %get3A_32 = tpu.vector_load %arg5[%get3A_30, %get3A_31] {strides = array<i32>} : memref<4x256xf32, #tpu.memory_space<vmem>>, vector<1x16xf32>,
      %get3A_33 = vector.shape_cast %get3A_32 : vector<1x16xf32> to vector<16xf32>
      %mul3A_34 = arith.constant 16 : i32
      %mul3A_35 = arith.muli %scan3A_19, %mul3A_34 : i32
      %get3A_36 = arith.constant 2 : i32
      %get3A_37 = arith.index_cast %get3A_36 : i32 to index
      %get3A_38 = arith.index_cast %mul3A_35 : i32 to index
      %get3A_39 = tpu.vector_load %arg5[%get3A_37, %get3A_38] {strides = array<i32>} : memref<4x256xf32, #tpu.memory_space<vmem>>, vector<1x16xf32>,
      %get3A_40 = vector.shape_cast %get3A_39 : vector<1x16xf32> to vector<16xf32>
      %mul3A_41 = arith.constant 16 : i32
      %mul3A_42 = arith.muli %scan3A_19, %mul3A_41 : i32
      %get3A_43 = arith.constant 3 : i32
      %get3A_44 = arith.index_cast %get3A_43 : i32 to index
      %get3A_45 = arith.index_cast %mul3A_42 : i32 to index
      %get3A_46 = tpu.vector_load %arg5[%get3A_44, %get3A_45] {strides = array<i32>} : memref<4x256xf32, #tpu.memory_space<vmem>>, vector<1x16xf32>,
      %get3A_47 = vector.shape_cast %get3A_46 : vector<1x16xf32> to vector<16xf32>
      %scan3A_48 = arith.constant 0 : i32
      %scan3A_49 = arith.constant 16 : i32
      %scan3A_50 = arith.addi %scan3A_48, %scan3A_49 : i32
      %scan3A_51 = arith.constant 1 : i32
      %scan3A_52 = scf.for %scan3A_54 = %scan3A_48 to %scan3A_50 step %scan3A_51 iter_args(%scan3A_55 = %scan3A_20) -> (vector<16xf32>)  : i32 {
        %broadcast_in_dim3A_56 = vector.broadcast %scan3A_54 : i32 to vector<16xi32>
        %reshape3A = vector.shape_cast %broadcast_in_dim3A_56 : vector<16xi32> to vector<16x1xi32>
        %gather3A = vector.shape_cast %reshape3A : vector<16x1xi32> to vector<16xi32>
        %gather3A_57 = tpu.dynamic_gather %get3A_26[%gather3A] in [0] : vector<16xf32>, vector<16xi32> -> vector<16xf32>
        %broadcast_in_dim3A_58 = vector.broadcast %scan3A_54 : i32 to vector<16xi32>
        %reshape3A_59 = vector.shape_cast %broadcast_in_dim3A_58 : vector<16xi32> to vector<16x1xi32>
        %gather3A_60 = vector.shape_cast %reshape3A_59 : vector<16x1xi32> to vector<16xi32>
        %gather3A_61 = tpu.dynamic_gather %get3A_33[%gather3A_60] in [0] : vector<16xf32>, vector<16xi32> -> vector<16xf32>
        %broadcast_in_dim3A_62 = vector.broadcast %scan3A_54 : i32 to vector<16xi32>
        %reshape3A_63 = vector.shape_cast %broadcast_in_dim3A_62 : vector<16xi32> to vector<16x1xi32>
        %gather3A_64 = vector.shape_cast %reshape3A_63 : vector<16x1xi32> to vector<16xi32>
        %gather3A_65 = tpu.dynamic_gather %get3A_40[%gather3A_64] in [0] : vector<16xf32>, vector<16xi32> -> vector<16xf32>
        %broadcast_in_dim3A_66 = vector.broadcast %scan3A_54 : i32 to vector<16xi32>
        %reshape3A_67 = vector.shape_cast %broadcast_in_dim3A_66 : vector<16xi32> to vector<16x1xi32>
        %gather3A_68 = vector.shape_cast %reshape3A_67 : vector<16x1xi32> to vector<16xi32>
        %gather3A_69 = tpu.dynamic_gather %get3A_47[%gather3A_68] in [0] : vector<16xf32>, vector<16xi32> -> vector<16xf32>
        %broadcast_in_dim3A_70 = arith.constant 0x7F800000 : f32
        %broadcast_in_dim3A_71 = vector.broadcast %broadcast_in_dim3A_70 : f32 to vector<16xf32>
        %scan3A_72 = arith.constant 0 : i32
        %scan3A_73 = arith.constant 512 : i32
        %scan3A_74 = arith.addi %scan3A_72, %scan3A_73 : i32
        %scan3A_75 = arith.constant 1 : i32
        %scan3A_76 = scf.for %scan3A_104 = %scan3A_72 to %scan3A_74 step %scan3A_75 iter_args(%scan3A_105 = %broadcast_in_dim3A_71) -> (vector<16xf32>)  : i32 {
          %mul3A_106 = arith.constant 16 : i32
          %mul3A_107 = arith.muli %scan3A_104, %mul3A_106 : i32
          %get3A_108 = arith.constant 0 : i32
          %get3A_109 = arith.index_cast %get3A_108 : i32 to index
          %get3A_110 = arith.index_cast %mul3A_107 : i32 to index
          %get3A_111 = tpu.vector_load %arg6[%get3A_109, %get3A_110] {strides = array<i32>} : memref<4x8192xf32, #tpu.memory_space<vmem>>, vector<1x16xf32>,
          %get3A_112 = vector.shape_cast %get3A_111 : vector<1x16xf32> to vector<16xf32>
          %mul3A_113 = arith.constant 16 : i32
          %mul3A_114 = arith.muli %scan3A_104, %mul3A_113 : i32
          %get3A_115 = arith.constant 1 : i32
          %get3A_116 = arith.index_cast %get3A_115 : i32 to index
          %get3A_117 = arith.index_cast %mul3A_114 : i32 to index
          %get3A_118 = tpu.vector_load %arg6[%get3A_116, %get3A_117] {strides = array<i32>} : memref<4x8192xf32, #tpu.memory_space<vmem>>, vector<1x16xf32>,
          %get3A_119 = vector.shape_cast %get3A_118 : vector<1x16xf32> to vector<16xf32>
          %mul3A_120 = arith.constant 16 : i32
          %mul3A_121 = arith.muli %scan3A_104, %mul3A_120 : i32
          %get3A_122 = arith.constant 2 : i32
          %get3A_123 = arith.index_cast %get3A_122 : i32 to index
          %get3A_124 = arith.index_cast %mul3A_121 : i32 to index
          %get3A_125 = tpu.vector_load %arg6[%get3A_123, %get3A_124] {strides = array<i32>} : memref<4x8192xf32, #tpu.memory_space<vmem>>, vector<1x16xf32>,
          %get3A_126 = vector.shape_cast %get3A_125 : vector<1x16xf32> to vector<16xf32>
          %mul3A_127 = arith.constant 16 : i32
          %mul3A_128 = arith.muli %scan3A_104, %mul3A_127 : i32
          %get3A_129 = arith.constant 3 : i32
          %get3A_130 = arith.index_cast %get3A_129 : i32 to index
          %get3A_131 = arith.index_cast %mul3A_128 : i32 to index
          %get3A_132 = tpu.vector_load %arg6[%get3A_130, %get3A_131] {strides = array<i32>} : memref<4x8192xf32, #tpu.memory_space<vmem>>, vector<1x16xf32>,
          %get3A_133 = vector.shape_cast %get3A_132 : vector<1x16xf32> to vector<16xf32>
          %sub3A = arith.subf %get3A_112, %gather3A_57 : vector<16xf32>
          %sub3A_134 = arith.subf %get3A_119, %gather3A_61 : vector<16xf32>
          %sub3A_135 = arith.subf %get3A_126, %gather3A_65 : vector<16xf32>
          %sub3A_136 = arith.subf %get3A_133, %gather3A_69 : vector<16xf32>
          %mul3A_137 = arith.mulf %sub3A, %sub3A : vector<16xf32>
          %mul3A_138 = arith.mulf %sub3A_134, %sub3A_134 : vector<16xf32>
          %add3A_139 = arith.addf %mul3A_137, %mul3A_138 : vector<16xf32>
          %mul3A_140 = arith.mulf %sub3A_135, %sub3A_135 : vector<16xf32>
          %add3A_141 = arith.addf %add3A_139, %mul3A_140 : vector<16xf32>
          %mul3A_142 = arith.mulf %sub3A_136, %sub3A_136 : vector<16xf32>
          %mul3A_143 = arith.constant 2.500000e-01 : f32
          %mul3A_144 = vector.broadcast %mul3A_143 : f32 to vector<16xf32>
          %mul3A_145 = arith.mulf %mul3A_144, %mul3A_142 : vector<16xf32>
          %add3A_146 = arith.addf %add3A_141, %mul3A_145 : vector<16xf32>
          %min3A_147 = arith.minimumf %scan3A_105, %add3A_146 : vector<16xf32>
          scf.yield %min3A_147 : vector<16xf32>
        }
        %scan3A_77 = arith.constant 512 : i32
        %iota3A = tpu.iota {dimensions = array<i32: 0>} : vector<16xi32>
        %xor3A = arith.constant 8 : i32
        %xor3A_78 = vector.broadcast %xor3A : i32 to vector<16xi32>
        %xor3A_79 = arith.xori %iota3A, %xor3A_78 : vector<16xi32>
        %reshape3A_80 = vector.shape_cast %xor3A_79 : vector<16xi32> to vector<16x1xi32>
        %gather3A_81 = vector.shape_cast %reshape3A_80 : vector<16x1xi32> to vector<16xi32>
        %gather3A_82 = tpu.dynamic_gather %scan3A_76[%gather3A_81] in [0] : vector<16xf32>, vector<16xi32> -> vector<16xf32>
        %min3A = arith.minimumf %scan3A_76, %gather3A_82 : vector<16xf32>
        %xor3A_83 = arith.constant 4 : i32
        %xor3A_84 = vector.broadcast %xor3A_83 : i32 to vector<16xi32>
        %xor3A_85 = arith.xori %iota3A, %xor3A_84 : vector<16xi32>
        %reshape3A_86 = vector.shape_cast %xor3A_85 : vector<16xi32> to vector<16x1xi32>
        %gather3A_87 = vector.shape_cast %reshape3A_86 : vector<16x1xi32> to vector<16xi32>
        %gather3A_88 = tpu.dynamic_gather %min3A[%gather3A_87] in [0] : vector<16xf32>, vector<16xi32> -> vector<16xf32>
        %min3A_89 = arith.minimumf %min3A, %gather3A_88 : vector<16xf32>
        %xor3A_90 = arith.constant 2 : i32
        %xor3A_91 = vector.broadcast %xor3A_90 : i32 to vector<16xi32>
        %xor3A_92 = arith.xori %iota3A, %xor3A_91 : vector<16xi32>
        %reshape3A_93 = vector.shape_cast %xor3A_92 : vector<16xi32> to vector<16x1xi32>
        %gather3A_94 = vector.shape_cast %reshape3A_93 : vector<16x1xi32> to vector<16xi32>
        %gather3A_95 = tpu.dynamic_gather %min3A_89[%gather3A_94] in [0] : vector<16xf32>, vector<16xi32> -> vector<16xf32>
        %min3A_96 = arith.minimumf %min3A_89, %gather3A_95 : vector<16xf32>
        %xor3A_97 = arith.constant 1 : i32
        %xor3A_98 = vector.broadcast %xor3A_97 : i32 to vector<16xi32>
        %xor3A_99 = arith.xori %iota3A, %xor3A_98 : vector<16xi32>
        %reshape3A_100 = vector.shape_cast %xor3A_99 : vector<16xi32> to vector<16x1xi32>
        %gather3A_101 = vector.shape_cast %reshape3A_100 : vector<16x1xi32> to vector<16xi32>
        %gather3A_102 = tpu.dynamic_gather %min3A_96[%gather3A_101] in [0] : vector<16xf32>, vector<16xi32> -> vector<16xf32>
        %min3A_103 = arith.minimumf %min3A_96, %gather3A_102 : vector<16xf32>
        %max3A = arith.maximumf %scan3A_55, %min3A_103 : vector<16xf32>
        scf.yield %max3A : vector<16xf32>
      }
      %scan3A_53 = arith.constant 16 : i32
      scf.yield %scan3A_52 : vector<16xf32>
    }
    %scan3A_15 = arith.constant 16 : i32
    %swap3A = arith.constant 0 : index
    %swap3A_16 = tpu.vector_load %arg7[%swap3A] {strides = array<i32>} : memref<16xf32, #tpu.memory_space<vmem>>, vector<16xf32>,
    %swap3A_17 = vector.shape_cast %swap3A_16 : vector<16xf32> to vector<16xf32>
    %swap3A_18 = vector.shape_cast %scan3A_14 : vector<16xf32> to vector<16xf32>
    tpu.vector_store %arg7[%swap3A], %swap3A_18 {strides = array<i32>} : memref<16xf32, #tpu.memory_space<vmem>>, vector<16xf32>,
    "tpu.region"() ({
      %run_scoped3A_19 = tpu.sem_alloc : memref<!tpu.dma_semaphore, #tpu.memory_space<semaphore_mem>>
      %dma_start3A = arith.constant 0 : i32
      %dma_start3A_20 = tpu.memref_slice %arg4[%add3A, %dma_start3A] : memref<32x16xf32, #tpu.memory_space<hbm>> -> memref<1x16xf32, #tpu.memory_space<hbm>>
      %dma_start3A_21 = tpu.memref_squeeze %dma_start3A_20 : memref<1x16xf32, #tpu.memory_space<hbm>> -> memref<16xf32, #tpu.memory_space<hbm>>
      %dma_start3A_22 = arith.constant 0 : i32
      %dma_start3A_23 = tpu.memref_slice %arg4[%add3A, %dma_start3A_22] : memref<32x16xf32, #tpu.memory_space<hbm>> -> memref<1x16xf32, #tpu.memory_space<hbm>>
      %dma_start3A_24 = tpu.memref_squeeze %dma_start3A_23 : memref<1x16xf32, #tpu.memory_space<hbm>> -> memref<16xf32, #tpu.memory_space<hbm>>
      tpu.enqueue_dma source(%arg7 : memref<16xf32, #tpu.memory_space<vmem>>) target(%dma_start3A_24 : memref<16xf32, #tpu.memory_space<hbm>>) target_semaphore(%run_scoped3A_19 : memref<!tpu.dma_semaphore, #tpu.memory_space<semaphore_mem>>)
      %dma_wait3A = arith.constant 0 : i32
      %dma_wait3A_25 = tpu.memref_slice %arg4[%add3A, %dma_wait3A] : memref<32x16xf32, #tpu.memory_space<hbm>> -> memref<1x16xf32, #tpu.memory_space<hbm>>
      %dma_wait3A_26 = tpu.memref_squeeze %dma_wait3A_25 : memref<1x16xf32, #tpu.memory_space<hbm>> -> memref<16xf32, #tpu.memory_space<hbm>>
      %dma_wait3A_27 = arith.constant 0 : i32
      %dma_wait3A_28 = tpu.memref_slice %arg4[%add3A, %dma_wait3A_27] : memref<32x16xf32, #tpu.memory_space<hbm>> -> memref<1x16xf32, #tpu.memory_space<hbm>>
      %dma_wait3A_29 = tpu.memref_squeeze %dma_wait3A_28 : memref<1x16xf32, #tpu.memory_space<hbm>> -> memref<16xf32, #tpu.memory_space<hbm>>
      tpu.wait_dma2 semaphore(%run_scoped3A_19 : memref<!tpu.dma_semaphore, #tpu.memory_space<semaphore_mem>>) src(%arg7 : memref<16xf32, #tpu.memory_space<vmem>>) dst(%dma_wait3A_29 : memref<16xf32, #tpu.memory_space<hbm>>)
      tpu.yield
    }) : () -> ()
    return
  }
}

</mosaic_0001>

<sc_bundles>
// kernel: kernel.3.cloned.1.call-start
scs
__scs_entry_jumppad:
0x0: {  	(pc) =	sbr.rel $0x88, $3  }
0x1: {  	(tag) =	ssettag $0x0;
	lr =	simm.s32 $0x1  }
0x2: {  	[smem:$0x3F9F] =	sst lr;
	_ =	strace $0xD0000000  }
0x3: {  	_ = 	snop  }
0x4: {  	_ = 	snop  }
0x5: {  	_ = 	snop  }
0x6: {  	_ = 	snop  }
0x7: {  	_ = 	snop  }
__scs_overlays_trampoline_lowered:
0x8: {  	[smem:$0x3FAE] =	sst s0  }
0x9: {  	[smem:$0x3FAF] =	sst s1  }
0xa: {  	[smem:$0x3FB0] =	sst s2  }
0xb: {  	[smem:$0x3FB1] =	sst s3  }
0xc: {  	[smem:$0x3FB2] =	sst s4  }
0xd: {  	[smem:$0x3FB3] =	sst s5  }
0xe: {  	[smem:$0x3FB4] =	sst s6  }
0xf: {  	[smem:$0x3FB5] =	sst s7  }
0x10: {  	[smem:$0x3FB6] =	sst s8  }
0x11: {  	[smem:$0x3FB7] =	sst s9;
	s0 =	simm.s32 @!p0 $0x0  }
0x12: {  	s1 =	sld [smem:$0x3F9D];
	s0 =	simm.s32 @p0 $0x1  }
0x13: {  	[smem:$0x3FB8] =	sst s0;
	s0 =	simm.s32 @!p1 $0x0  }
0x14: {  	s2 =	sld [smem:$0x3F9C];
	s0 =	simm.s32 @p1 $0x1  }
0x15: {  	[smem:$0x3FB9] =	sst s0;
	s0 =	simm.s32 @!p2 $0x0  }
0x16: {  	s3 =	sld [smem:$0x3FDB];
	s0 =	simm.s32 @p2 $0x1  }
0x17: {  	s4 =	simm.s32 $0x1BF5;
	[smem:$0x3FBB] =	sst s0  }
0x18: {  	s0 =	sld [smem:$0x3F9E];
	_ =	swait.ge [sflag:s4], $0x0  }
0x19: {  	s7 =	sld [smem:$0x3F9F]  }
0x1a: {  	s8 =	sadd.s32 $0xFFFFE003, lr  }
0x1b: {  	s9 =	sadd.s32 $0xFFFFFEF7, lr;
	s5 =	simm.s32 $0xFFFFFFFF;
	p2 =	slt.u32 s8, $0xFFFFF086  }
0x1c: {  	p1 =	slt.u32 s9, $0xF7A;
	s5 =	simm.s32 @!p2 $0x0  }
0x1d: {  	s5 =	simm.s32 @p1 $0x1;
	p0 =	seq.s32 s7, s2  }
0x1e: {  	s7 =	smul.u32 @!p0 $0xF7A, s2;
	p2 =	seq.s32 @!p0 s5, $0x0  }
0x1f: {  	s9 =	smul.u32 $0xF7A, s1;
	s8 =	simm.s32 @!p0 $0x1BF5;
	p2 =	por !p2, p0  }
0x20: {  	[sflag:s8] =	ssyncset.s32 @!p0 $0xFFFFF086;
	s6 =	sadd.s32 @!p0 s3, s7;
	s7 =	simm.s32 @!p0 $0x108  }
0x21: {  	s3 =	sadd.s32 s3, s9;
	s6 =	sadd.s32 @!p0 $0x88, s6;
	s7 =	simm.s32 @p2 $0x1082  }
0x22: {  	[simem:s7], [sflag:s8] =	dma.local @!p0 [hbm:s6], $0xF7A  }
0x23: {  	s9 =	sor.u32 $0xD0000000, s2;
	s6 =	simm.s32 $0x108;
	_ =	swait.ge @!p0 [sflag:s8], $0x0  }
0x24: {  	s3 =	sadd.s32 $0x88, s3;
	s6 =	simm.s32 @!p1 $0x1082;
	[sflag:s4] =	ssyncset.s32 $0xFFFFF086  }
0x25: {  	[simem:s6], [sflag:s4] =	dma.local [hbm:s3], $0xF7A  }
0x26: {  	[smem:$0x3F9F] =	sst s1;
	(tag) =	ssettag s2;
	_ =	strace s9  }
0x27: {  	s1 =	sld [smem:$0x3FAF]  }
0x28: {  	s2 =	sld [smem:$0x3FB0]  }
0x29: {  	s4 =	sld [smem:$0x3FB2]  }
0x2a: {  	p0 =	seq.s32 s5, $0x0;
	s5 =	sld [smem:$0x3FB3]  }
0x2b: {  	s6 =	sld [smem:$0x3FB4]  }
0x2c: {  	s7 =	sld [smem:$0x3FB5]  }
0x2d: {  	s3 =	simm.s32 $0x108;
	s8 =	sld [smem:$0x3FB6]  }
0x2e: {  	s3 =	simm.s32 @!p0 $0x1082;
	s9 =	sld [smem:$0x3FB7]  }
0x2f: {  	lr =	sadd.s32 s0, s3;
	s0 =	sld [smem:$0x3FAE]  }
0x30: {  	s3 =	sld [smem:$0x3FB1]  }
0x31: {  	[smem:$0x3FBA] =	sst s10  }
0x32: {  	s10 =	sld [smem:$0x3FB8];
	_ =	sdelay $0x3  }
0x33: {  	p0 =	seq.s32 s10, $0x1;
	s10 =	sld [smem:$0x3FBA];
	_ =	sdelay $0x3  }
0x34: {  	[smem:$0x3FBA] =	sst s10  }
0x35: {  	s10 =	sld [smem:$0x3FB9];
	_ =	sdelay $0x3  }
0x36: {  	p1 =	seq.s32 s10, $0x1;
	s10 =	sld [smem:$0x3FBA];
	_ =	sdelay $0x3  }
0x37: {  	[smem:$0x3FBA] =	sst s10  }
0x38: {  	s10 =	sld [smem:$0x3FBB]  }
0x39: {  	_ = 	snop;
	(pc) =	sbr.ind lr, $3  }
0x3a: {  	_ = 	snop  }
0x3b: {  	_ = 	snop  }
0x3c: {  	p2 =	seq.s32 s10, $0x1;
	s10 =	sld [smem:$0x3FBA]  }
0x3d: {  	_ =	shalt  }
0x3e: {  	_ =	shalt  }
0x3f: {  	_ =	shalt  }
0x40: {  	_ =	shalt  }
0x41: {  	_ =	shalt  }
0x42: {  	_ =	shalt  }
0x43: {  	_ =	shalt  }
0x44: {  	_ =	shalt  }
0x45: {  	_ =	shalt  }
0x46: {  	_ =	shalt  }
0x47: {  	_ =	shalt  }
0x48: {  	_ =	shalt  }
0x49: {  	_ =	shalt  }
0x4a: {  	_ =	shalt  }
0x4b: {  	_ =	shalt  }
0x4c: {  	_ =	shalt  }
0x4d: {  	_ =	shalt  }
0x4e: {  	_ =	shalt  }
0x4f: {  	_ =	shalt  }
0x50: {  	_ =	shalt  }
0x51: {  	_ =	shalt  }
0x52: {  	_ =	shalt  }
0x53: {  	_ =	shalt  }
0x54: {  	_ =	shalt  }
0x55: {  	_ =	shalt  }
0x56: {  	_ =	shalt  }
0x57: {  	_ =	shalt  }
0x58: {  	_ =	shalt  }
0x59: {  	_ =	shalt  }
0x5a: {  	_ =	shalt  }
0x5b: {  	_ =	shalt  }
0x5c: {  	_ =	shalt  }
0x5d: {  	_ =	shalt  }
0x5e: {  	_ =	shalt  }
0x5f: {  	_ =	shalt  }
0x60: {  	_ =	shalt  }
0x61: {  	_ =	shalt  }
0x62: {  	_ =	shalt  }
0x63: {  	_ =	shalt  }
0x64: {  	_ =	shalt  }
0x65: {  	_ =	shalt  }
0x66: {  	_ =	shalt  }
0x67: {  	_ =	shalt  }
0x68: {  	_ =	shalt  }
0x69: {  	_ =	shalt  }
0x6a: {  	_ =	shalt  }
0x6b: {  	_ =	shalt  }
0x6c: {  	_ =	shalt  }
0x6d: {  	_ =	shalt  }
0x6e: {  	_ =	shalt  }
0x6f: {  	_ =	shalt  }
0x70: {  	_ =	shalt  }
0x71: {  	_ =	shalt  }
0x72: {  	_ =	shalt  }
0x73: {  	_ =	shalt  }
0x74: {  	_ =	shalt  }
0x75: {  	_ =	shalt  }
0x76: {  	_ =	shalt  }
0x77: {  	_ =	shalt  }
0x78: {  	_ =	shalt  }
0x79: {  	_ =	shalt  }
0x7a: {  	_ =	shalt  }
0x7b: {  	_ =	shalt  }
0x7c: {  	_ =	shalt  }
0x7d: {  	_ =	shalt  }
0x7e: {  	_ =	shalt  }
0x7f: {  	_ =	shalt  }
0x80: {  	_ =	shalt  }
0x81: {  	_ =	shalt  }
0x82: {  	_ =	shalt  }
0x83: {  	_ =	shalt  }
0x84: {  	_ =	shalt  }
0x85: {  	_ =	shalt  }
0x86: {  	_ =	shalt  }
0x87: {  	_ =	shalt  }
.Lfunc_end0:
.L_simem_size_0:
called_computation_lowered:
.L_overlay_start_0:
0x88: {  	s2 =	sld [smem:$0x3FD9]  }
0x89: {  	s3 =	sld [smem:$0x3FFE];
	_ =	sdelay $0x1  }
0x8a: {  	s1 =	srdreg.scid  }
0x8b: {  	s0 =	sand.u32 $0x1, s1  }
0x8c: {  	s17 =	sshll.u32 s0, $0xA;
	s2 =	sadd.s32 s3, s2  }
0x8d: {  	s2 =	sadd.s32 s2, s17  }
0x8e: {  	[smem:$0x3FC6] =	sst s2  }
0x8f: {  	_ = 	snop  }
0x90: {  	s2 =	sld [smem:$0x3FC9]  }
0x91: {  	s18 =	sld [smem:$0x3FC8];
	(tm) =	ssettm $0x1  }
0x92: {  	s4 =	sld [smem:$0x3FFB];
	_ =	sdelay $0x3  }
0x93: {  	_ =	strace s4  }
0x94: {  	s4 =	sld [smem:$0x3FFC];
	_ =	sdelay $0x3  }
0x95: {  	_ =	strace s4  }
0x96: {  	s4 =	sld [smem:$0x3FFD];
	_ =	sdelay $0x3  }
0x97: {  	_ =	strace s4  }
0x98: {  	_ =	strace $0x8FFFFFFF  }
0x99: {  	s19 =	sld [smem:$0x3FDB];
	_ =	sdelay $0x1  }
0x9a: {  	s5 =	simm.s32 $_scs_section_size  }
0x9b: {  	s6 =	simm.s32 $_size__tile_overlayer_lowered;
	s7 =	simm.s32 $_tile_overlayer_lowered  }
0x9c: {  	s22 =	simm.s32 $0x1BFF;
	s21 =	sshll.u32 s7, $0x1;
	s4 =	sadd.s32 s5, s19  }
0x9d: {  	s8 =	simm.s32 $0x0;
	s20 =	sshll.u32 s6, $0x1;
	s6 =	sadd.s32 s21, s4  }
0x9e: {  	[timem:s8], [sflag:s22] =	dma.local [hbm:s6], s20  }
0x9f: {  	_ =	swait.ge [sflag:s22], s20  }
0xa0: {  	s5 =	ssub.s32 $0x0, s20;
	[sflag:s22] =	ssyncset.done $0x0  }
0xa1: {  	[sflag:s22] =	ssyncadd.s32 s5;
	_ =	sdelay $0x1  }
0xa2: {  	s23 =	simm.s32 $0x1B8B  }
0xa3: {  	_ =	swait.ge [sflag:s23], $0x1  }
0xa4: {  	[sflag:s23] =	ssyncset.done $0x0  }
0xa5: {  	s25 =	simm.s32 $0x1B8E;
	s24 =	sld [smem:$0x3FFE];
	[sflag:s23] =	ssyncadd.s32 $0xFFFFFFFF  }
0xa6: {  	s26 =	simm.s32 $execute0_lowered;
	[smem:$0x3FD2] =	sst s25  }
0xa7: {  	s6 =	sshll.u32 s26, $0x1;
	_ =	strace $0x80000046;
	[dreg:$0x1] =	wrdreg $0xFFFFFFFF  }
0xa8: {  	s28 =	simm.s32 $_size_execute0_lowered;
	s4 =	sadd.s32 s4, s6;
	[dreg:$0x0] =	wrdreg $0x0  }
0xa9: {  	s6 =	sshll.u32 s28, $0x1;
	[dreg:$0x2] =	wrdreg s4  }
0xaa: {  	[dreg:$0x3] =	wrdreg s6  }
0xab: {  	[dreg:$0x4] =	wrdreg $0xC0  }
0xac: {  	_ =	task [dreg:s8], $0x5FFFF  }
0xad: {  	[dreg:$0x1] =	wrdreg $0xFFFFFFFF  }
0xae: {  	[dreg:$0x0] =	wrdreg $0x60  }
0xaf: {  	[dreg:$0x2] =	wrdreg s2  }
0xb0: {  	[dreg:$0x3] =	wrdreg s18  }
0xb1: {  	[dreg:$0x4] =	wrdreg s24  }
0xb2: {  	[dreg:$0x5] =	wrdreg $0x9  }
0xb3: {  	_ =	task.clear_ibuf [dreg:s8], $0x6FFFF;
	_ =	strace $0x90000046  }
0xb4: {  	s29 =	simm.s32 $0x9;
	_ =	strace $0x80000048  }
0xb5: {  	_ =	swait.ge [sflag:s29], $0x1  }
0xb6: {  	[sflag:s29] =	ssyncadd.s32 $0xFFFFFFFF  }
0xb7: {  	_ =	strace $0x90000048  }
0xb8: {  	_ =	sfence  }
0xb9: {  	s30 =	sld [smem:$0x0];
	_ =	sdelay $0x2  }
0xba: {  	s31 =	sshll.u32 s1, $0xD;
	s1 =	sshrl.u32 s1, $0x2  }
0xbb: {  	s3 =	sand.u32 $0x4000, s31;
	s1 =	sadd.s32 s1, s30  }
0xbc: {  	s0 =	sor.u32 s3, s0;
	s1 =	sshll.u32 s1, $0x11  }
0xbd: {  	s0 =	sor.u32 s1, s0  }
0xbe: {  	s0 =	sadd.s32 $0x8F2B, s0  }
0xbf: {  	[sflag:s0] =	ssyncadd.remote.s32 $0x1  }
0xc0: {  	_ =	sfence.sel $0xFFFF  }
0xc1: {  	[dreg:$0x0] =	wrdreg $0xFFFFFFFF;
	(pc) =	sbr.abs _section_cstart, $3  }
0xc2: {  	[dreg:$0x1] =	wrdreg $0xFFFFFFFF  }
0xc3: {  	_ =	task.clear_ibuf [dreg:s8], $0x2FFFF;
	_ =	strace $0x9FFFFFFF  }
0xc4: {  	(tm) =	ssettm $0x7FFFFFFF  }
0xc5: {  	_ =	shalt  }
tec
execute0_lowered:
.L_overlay_start_1:
0x0: {  	(tag) =	ssettag $0x1  }
0x1: {  	s4 =	rddreg [dreg:$0x0]  }
0x2: {  	s1 =	rddreg [dreg:$0x1]  }
0x3: {  	v0 =	vimm.s32 $0xFEDCBA98;
	s8 =	rddreg [dreg:$0x2];
	s3 =	simm.s32 $0x0  }
0x4: {  	s5 =	srdreg.scid;
	v1 =	vimm.s32 $0x76543210;
	s2 =	stileid.u32;
	v2 =	vimm.s32 $0xBA98FEDC;
	s11 =	simm.s32 $0x200  }
0x5: {  	v3 =	vimm.s32 $0x32107654;
	v4 =	vimm.s32 $0xDCFE98BA;
	s12 =	simm.s32 $0x1;
	s13 =	simm.s32 $0x80;
	s15 =	simm.s32 $0x280  }
0x6: {  	v5 =	vimm.s32 $0x54761032;
	v6 =	vimm.s32 $0xEFCDAB89;
	s16 =	simm.s32 $0x100;
	s18 =	simm.s32 $0x300;
	s19 =	simm.s32 $0x180  }
0x7: {  	v7 =	vimm.s32 $0x67452301;
	s21 =	simm.s32 $0x380;
	s22 =	simm.s32 $0x400;
	s23 =	simm.s32 $0x8400;
	v0 =	vunpack.c.l.s4.s8 v0;
	v1 =	vunpack.c.l.s4.s8 v1  }
0x8: {  	s24 =	simm.s32 $0x0;
	[smem:$0x7FF] =	sst s3;
	s5 =	sand.u32 $0x1, s5;
	v2 =	vunpack.c.l.s4.s8 v2;
	v3 =	vunpack.c.l.s4.s8 v3;
	v4 =	vunpack.c.l.s4.s8 v4  }
0x9: {  	s7 =	sshll.u32 s2, $0x8;
	v5 =	vunpack.c.l.s4.s8 v5;
	v6 =	vunpack.c.l.s4.s8 v6;
	v7 =	vunpack.c.l.s4.s8 v7;
	s6 =	ssub.s32 $0x2, s5;
	s5 =	sshll.u32 s5, $0x7  }
0xa: {  	_ =	strace $0x80000047;
	v0 =	vunpack.c.0.s8.s32 v0;
	s9 =	sshrl.u32 s6, $0x1;
	s7 =	sor.u32 s5, s7;
	v1 =	vunpack.c.0.s8.s32 v1;
	v2 =	vunpack.c.0.s8.s32 v2  }
0xb: {  	v3 =	vunpack.c.0.s8.s32 v3;
	v4 =	vunpack.c.0.s8.s32 v4;
	v5 =	vunpack.c.0.s8.s32 v5;
	s9 =	ssub.s32 s6, s9;
	s4 =	sadd.s32 s4, s7;
	s10 =	sshrl.u32 s7, $0x3  }
0xc: {  	v6 =	vunpack.c.0.s8.s32 v6;
	v7 =	vunpack.c.0.s8.s32 v7;
	v0 =	vand.u32 $0xF, v0;
	s5 =	sadd.s32 $0x10, s4;
	s6 =	sadd.s32 $0x20, s4;
	s7 =	sadd.s32 $0x30, s4  }
0xd: {  	s8 =	sadd.s32 s8, s10;
	s9 =	smax.u32 s9, $0x1;
	s10 =	sadd.s32 $0x40, s4;
	v0 =	vcombine.low v0, v1;
	v1 =	vcombine.low v3, v2  }
0xe: {  	s14 =	sadd.s32 $0x40, s5;
	s17 =	sadd.s32 $0x40, s6;
	s20 =	sadd.s32 $0x40, s7;
	v2 =	vcombine.low v5, v4;
	v3 =	vcombine.low v7, v6  }
.LBB2_1:
0xf: {  	[tilespmem:s3], [sflag:$0x1] =	stream.linear.gather [hbm4b:s4+s3], $0x80, $0x38;
	[tilespmem:$0x8480] =	vst v63  }
0x10: {  	_ = 	snop  }
0x11: {  	[tilespmem:s11], [sflag:$0x1] =	stream.linear.gather [hbm4b:s10+s3], $0x80, $0x38;
	[tilespmem:$0x8480] =	vst v63  }
0x12: {  	_ =	swait.ge [sflag:s12], $0x100  }
0x13: {  	[sflag:s12] =	ssyncset.done $0x0  }
0x14: {  	[sflag:s12] =	ssyncadd.s32 $0xFFFFFF00  }
0x15: {  	[tilespmem:s13], [sflag:$0x1] =	stream.linear.gather [hbm4b:s5+s3], $0x80, $0x38;
	[tilespmem:$0x8480] =	vst v63  }
0x16: {  	_ = 	snop  }
0x17: {  	[tilespmem:s15], [sflag:$0x1] =	stream.linear.gather [hbm4b:s14+s3], $0x80, $0x38;
	[tilespmem:$0x8480] =	vst v63  }
0x18: {  	_ =	swait.ge [sflag:s12], $0x100  }
0x19: {  	[sflag:s12] =	ssyncset.done $0x0  }
0x1a: {  	[sflag:s12] =	ssyncadd.s32 $0xFFFFFF00  }
0x1b: {  	[tilespmem:s16], [sflag:$0x1] =	stream.linear.gather [hbm4b:s6+s3], $0x80, $0x38;
	[tilespmem:$0x8480] =	vst v63  }
0x1c: {  	_ = 	snop  }
0x1d: {  	[tilespmem:s18], [sflag:$0x1] =	stream.linear.gather [hbm4b:s17+s3], $0x80, $0x38;
	[tilespmem:$0x8480] =	vst v63  }
0x1e: {  	_ =	swait.ge [sflag:s12], $0x100  }
0x1f: {  	[sflag:s12] =	ssyncset.done $0x0  }
0x20: {  	[sflag:s12] =	ssyncadd.s32 $0xFFFFFF00  }
0x21: {  	[tilespmem:s19], [sflag:$0x1] =	stream.linear.gather [hbm4b:s7+s3], $0x80, $0x38;
	[tilespmem:$0x8480] =	vst v63  }
0x22: {  	_ = 	snop  }
0x23: {  	[tilespmem:s21], [sflag:$0x1] =	stream.linear.gather [hbm4b:s20+s3], $0x80, $0x38;
	[tilespmem:$0x8480] =	vst v63  }
0x24: {  	_ =	swait.ge [sflag:s12], $0x100  }
0x25: {  	[sflag:s12] =	ssyncset.done $0x0  }
0x26: {  	[sflag:s12] =	ssyncadd.s32 $0xFFFFFF00  }
0x27: {  	[tilespmem:s22], [sflag:$0x1] =	stream.linear.gather [hbm4b:s1+s3], $0x8000, $0x38;
	[tilespmem:$0x8480] =	vst v63  }
0x28: {  	_ =	swait.ge [sflag:s12], $0x8000  }
0x29: {  	[sflag:s12] =	ssyncset.done $0x0  }
0x2a: {  	v4 =	vimm.f32 $-Inf;
	s25 =	simm.s32 $0x0;
	[sflag:s12] =	ssyncadd.s32 $0xFFFF8000  }
.LBB2_2:
0x2b: {  	s26 =	sshll.u32 s25, $0x4;
	s28 =	sshll.u32 s25, $0x6  }
0x2c: {  	s26 =	sand.u32 $0x70, s26;
	s28 =	sand.u32 $0x200, s28  }
0x2d: {  	s26 =	sor.u32 s26, s28  }
0x2e: {  	v5 =	vld [tilespmem:s26+$0x0]  }
0x2f: {  	v6 =	vld [tilespmem:s26+$0x80]  }
0x30: {  	v7 =	vld [tilespmem:s26+$0x100]  }
0x31: {  	s28 =	simm.s32 $0x0;
	v8 =	vld [tilespmem:s26+$0x180];
	s26 =	simm.s32 $0x0  }
.LBB2_3:
0x32: {  	s29 =	sand.u32 $0x70, s26;
	s30 =	sand.u32 $0x7E00, s26  }
0x33: {  	s29 =	sor.u32 s29, s30  }
0x34: {  	v9 =	vmov s28;
	v13 =	vld [tilespmem:s29+$0x400]  }
0x35: {  	v9 =	vand.u32 $0xF, v9;
	v14 =	vld [tilespmem:s29+$0x480]  }
0x36: {  	s31 =	simm.s32 $0x40;
	s30 =	simm.s32 $0x10;
	v12 =	vbroadcast v9, $0x0;
	v15 =	vld [tilespmem:s29+$0x500]  }
0x37: {  	v16 =	vld [tilespmem:s29+$0x580];
	s29 =	sand.u32 $0x70, s30;
	s30 =	sand.u32 $0x7E00, s31  }
0x38: {  	s29 =	sor.u32 s29, s30;
	v9 =	vperm.xlane v5, v12;
	v10 =	vperm.xlane v6, v12  }
0x39: {  	v11 =	vperm.xlane v7, v12;
	v17 =	vld [tilespmem:s29+$0x500]  }
0x3a: {  	v12 =	vperm.xlane v8, v12;
	v18 =	vld [tilespmem:s29+$0x400];
	v13 =	vsub.f32 v13, v9;
	v14 =	vsub.f32 v14, v10  }
0x3b: {  	v19 =	vld [tilespmem:s29+$0x480];
	v15 =	vsub.f32 v15, v11  }
0x3c: {  	s30 =	simm.s32 $0x20;
	v21 =	vld [tilespmem:s29+$0x580];
	s29 =	simm.s32 $0x80;
	v16 =	vsub.f32 v16, v12;
	v13 =	vmul.f32 v13, v13;
	v14 =	vmul.f32 v14, v14  }
0x3d: {  	s30 =	sand.u32 $0x70, s30;
	s29 =	sand.u32 $0x7E00, s29  }
0x3e: {  	s30 =	sor.u32 s30, s29;
	v20 =	vmul.f32 v15, v15;
	v16 =	vmul.f32 v16, v16;
	v13 =	vadd.f32 v14, v13  }
0x3f: {  	v22 =	vsub.f32 v18, v9;
	v14 =	vld [tilespmem:s30+$0x500]  }
0x40: {  	v15 =	vld [tilespmem:s30+$0x400];
	v19 =	vsub.f32 v19, v10;
	v24 =	vmul.f32 $2.500000000e-01, v16;
	v23 =	vadd.f32 v20, v13  }
0x41: {  	v18 =	vsub.f32 v21, v12;
	v16 =	vld [tilespmem:s30+$0x480];
	v21 =	vmul.f32 v22, v22;
	v20 =	vsub.f32 v17, v11  }
0x42: {  	s29 =	simm.s32 $0x30;
	v22 =	vmul.f32 v19, v19;
	v13 =	vimm.f32 $+Inf;
	v17 =	vld [tilespmem:s30+$0x580];
	s30 =	simm.s32 $0xC0;
	v19 =	vadd.f32 v24, v23  }
.LBB2_4:
0x43: {  	s31 =	sand.u32 $0x70, s29;
	s0 =	sand.u32 $0x7E00, s30;
	v20 =	vmul.f32 v20, v20;
	p0 =	sne.s32 s29, $0x1FF0  }
.Ltmp0:
0x44: {  	v18 =	vmul.f32 v18, v18;
	s0 =	sor.u32 s31, s0;
	v21 =	vadd.f32 v22, v21;
	v13 =	vmin.f32 v13, v19;
	v19 =	vmovc v14;
	(pc) =	sbr.rel @p0 .LBB2_4-.Ltmp0, $4  }
0x45: {  	s29 =	sadd.s32 $0x10, s29;
	v14 =	vld [tilespmem:s0+$0x500];
	v22 =	vsub.f32 v15, v9  }
0x46: {  	v25 =	vmul.f32 $2.500000000e-01, v18;
	v15 =	vld [tilespmem:s0+$0x400];
	v23 =	vsub.f32 v16, v10;
	v24 =	vadd.f32 v20, v21  }
0x47: {  	v20 =	vsub.f32 v19, v11;
	v16 =	vld [tilespmem:s0+$0x480];
	v18 =	vsub.f32 v17, v12  }
0x48: {  	s30 =	sadd.s32 $0x40, s30;
	v21 =	vmul.f32 v22, v22;
	v17 =	vld [tilespmem:s0+$0x580];
	v22 =	vmul.f32 v23, v23;
	v19 =	vadd.f32 v25, v24  }
0x49: {  	_ =	sdelay $0x2  }
0x4a: {  	v9 =	vsub.f32 v15, v9;
	v10 =	vsub.f32 v16, v10  }
0x4b: {  	v11 =	vsub.f32 v14, v11  }
0x4c: {  	v12 =	vsub.f32 v17, v12;
	v9 =	vmul.f32 v9, v9;
	v10 =	vmul.f32 v10, v10  }
0x4d: {  	v58 =	vmul.f32 v20, v20;
	v60 =	vmul.f32 v18, v18;
	v59 =	vadd.f32 v22, v21  }
0x4e: {  	v11 =	vmul.f32 v11, v11;
	v9 =	vadd.f32 v10, v9;
	v10 =	vmul.f32 v12, v12  }
0x4f: {  	v62 =	vmul.f32 $2.500000000e-01, v60;
	v61 =	vadd.f32 v58, v59  }
0x50: {  	v9 =	vadd.f32 v11, v9;
	v10 =	vmul.f32 $2.500000000e-01, v10  }
0x51: {  	v11 =	vadd.f32 v62, v61  }
0x52: {  	v63 =	vmin.f32 v13, v19;
	v9 =	vadd.f32 v10, v9  }
0x53: {  	v10 =	vmin.f32 v63, v11  }
0x54: {  	v9 =	vmin.f32 v10, v9  }
0x55: {  	v10 =	vperm.xlane v9, v0;
	_ =	sdelay $0x1  }
0x56: {  	v9 =	vmin.f32 v9, v10  }
0x57: {  	v10 =	vperm.xlane v9, v1;
	_ =	sdelay $0x1  }
0x58: {  	v9 =	vmin.f32 v9, v10  }
0x59: {  	s28 =	sadd.s32 $0x1, s28;
	v10 =	vperm.xlane v9, v2  }
0x5a: {  	p0 =	sne.s32 s28, $0x10  }
.Ltmp1:
0x5b: {  	v9 =	vmin.f32 v9, v10;
	(pc) =	sbr.rel @p0 .LBB2_3-.Ltmp1, $3  }
0x5c: {  	v10 =	vperm.xlane v9, v3;
	_ =	sdelay $0x1  }
0x5d: {  	v9 =	vmin.f32 v9, v10  }
0x5e: {  	v4 =	vmax.f32 v4, v9  }
0x5f: {  	s25 =	sadd.s32 $0x1, s25  }
0x60: {  	p0 =	sne.s32 s25, $0x10  }
.Ltmp2:
0x61: {  	_ = 	snop;
	(pc) =	sbr.rel @p0 .LBB2_2-.Ltmp2, $1  }
0x62: {  	_ =	sdelay $0x3  }
0x63: {  	s24 =	sadd.s32 $0x1, s24  }
0x64: {  	p0 =	sne.s32 s24, s9  }
.Ltmp3:
0x65: {  	[tilespmem:$0x8400] =	vst v4;
	(pc) =	sbr.rel @p0 .LBB2_1-.Ltmp3, $4  }
0x66: {  	[hbm4b:s8+s3] =	stream.linear.scatter [tilespmem:s23], [sflag:$0x1], $0x80, $0x38;
	[tilespmem:$0x8480] =	vst v63  }
0x67: {  	_ =	swait.ge [sflag:s12], $0x80  }
0x68: {  	[sflag:s12] =	ssyncset.done $0x0  }
0x69: {  	[sflag:s12] =	ssyncadd.s32 $0xFFFFFF80  }
0x6a: {  	_ =	sfence.sel $0x180000  }
0x6b: {  	[bflag:$0x0] =	sbarrier.arrive $0xFFFF  }
0x6c: {  	_ =	strace $0x90000047  }
0x6d: {  	[bflag:$0x2] =	sbarrier.arrive $0xFFFF  }
0x6e: {  	p0 =	sne.s32 s2, $0x0;
	s0 =	rddreg [dreg:$0x3]  }
0x6f: {  	s0 =	sadd.s32 @!p0 $0x100000, s0  }
0x70: {  	[sflag:s0] =	ssyncadd.tile.s32 @!p0 $0x1;
	_ =	shalt  }
.Lfunc_end2:
_tile_overlayer_lowered:
.L_overlay_start_2:
0x71: {  	(tag) =	ssettag $0x2  }
0x72: {  	s0 =	rddreg [dreg:$0x0];
	s2 =	stileid.u32  }
0x73: {  	s1 =	rddreg [dreg:$0x1];
	p0 =	sne.s32 s2, $0x0  }
0x74: {  	s3 =	rddreg [dreg:$0x2];
	[bflag:$0x3] =	sbarrier.arrive $0xFFFF;
	s2 =	simm.s32 @!p0 $0x1C01  }
0x75: {  	[timem:s3], [sflag:s2] =	dma.local @!p0 [hbm:s0], s1  }
0x76: {  	s0 =	simm.s32 @!p0 $0x1  }
0x77: {  	_ =	swait.ge @!p0 [sflag:s0], s1  }
0x78: {  	s1 =	ssub.s32 @!p0 $0x0, s1;
	[sflag:s0] =	ssyncset.done @!p0 $0x0  }
0x79: {  	[sflag:s0] =	ssyncadd.s32 @!p0 s1  }
0x7a: {  	[bflag:$0x3] =	sbarrier.arrive $0xFFFF  }
0x7b: {  	_ =	shalt  }

</sc_bundles>
